<compile_context>
chip_gen: v7x
topology: tpu7x:2x2x1
jax: 0.10.2.dev20260603
libtpu: 0.0.44.dev20260713+nightly
codegen_flags: <defaults>
</compile_context>

<pallas_src>
import functools

import jax
import jax.numpy as jnp
from jax import lax
from jax.experimental import pallas as pl
from jax.experimental.pallas import tpu as pltpu
from jax.experimental.pallas import tpu_sc as plsc

BATCH = 4096
HIDDEN = 1024
HALF = HIDDEN // 2
REL_VOCAB = 401
HOP_RANGE = 8
TILE = 2048
N_TILES = BATCH // TILE
N_WORKERS = 32
ROWS_PER_W = BATCH // N_WORKERS


def _rp_body(rel_ref, w1b_ref, out_ref):
    rp = lax.dot_general(
        rel_ref[...].astype(jnp.bfloat16),
        w1b_ref[...].astype(jnp.bfloat16),
        (((1,), (1,)), ((), ())),
        preferred_element_type=jnp.float32)
    lo = lax.bitcast_convert_type(
        rp[:, :HALF].astype(jnp.bfloat16).astype(jnp.float32), jnp.int32)
    hi = lax.bitcast_convert_type(
        rp[:, HALF:].astype(jnp.bfloat16).astype(jnp.float32), jnp.int32)
    out_ref[...] = hi | lax.shift_right_logical(lo, 16)


def _rel_proj(rel_emb, w1):
    return pl.pallas_call(
        _rp_body,
        grid=(1,),
        in_specs=[
            pl.BlockSpec((REL_VOCAB, HIDDEN), lambda i: (0, 0)),
            pl.BlockSpec((HIDDEN, HIDDEN), lambda i: (0, 1)),
        ],
        out_specs=pl.BlockSpec((REL_VOCAB, HALF), lambda i: (0, 0)),
        out_shape=jax.ShapeDtypeStruct((REL_VOCAB, HALF), jnp.int32),
    )(rel_emb, w1)


@functools.cache
def _make_sc_gather():
    mesh = plsc.VectorSubcoreMesh(core_axis_name="c", subcore_axis_name="s")

    @functools.partial(
        pl.kernel,
        mesh=mesh,
        out_type=jax.ShapeDtypeStruct((BATCH, HALF), jnp.int32),
        scratch_types=[
            pltpu.VMEM((ROWS_PER_W,), jnp.int32),
            pltpu.VMEM((ROWS_PER_W, HALF), jnp.int32),
            pltpu.SemaphoreType.DMA,
            pltpu.SemaphoreType.DMA,
        ],
    )
    def _sc_gather(table_hbm, idx_hbm, out_hbm, idx_v, rows_v, si, so):
        wid = lax.axis_index("s") * 2 + lax.axis_index("c")
        base = wid * ROWS_PER_W
        pltpu.sync_copy(idx_hbm.at[pl.ds(base, ROWS_PER_W)], idx_v)
        pltpu.async_copy(table_hbm.at[idx_v], rows_v, si).wait()
        pltpu.async_copy(rows_v, out_hbm.at[pl.ds(base, ROWS_PER_W)],
                         so).wait()

    return _sc_gather


def _kp_body(hid_ref, w1a_ref, b1_ref, pout_ref, w1a_bf_ref):
    i = pl.program_id(0)

    @pl.when(i == 0)
    def _init():
        w1a_bf_ref[...] = w1a_ref[...].astype(jnp.bfloat16)

    p = lax.dot_general(hid_ref[...].astype(jnp.bfloat16), w1a_bf_ref[...],
                        (((1,), (1,)), ((), ())),
                        preferred_element_type=jnp.float32)
    pout_ref[...] = (p + b1_ref[...]).astype(jnp.bfloat16)


def _kp(hidden, w1, b1):
    full = lambda i: (0, 0)
    return pl.pallas_call(
        _kp_body,
        grid=(N_TILES,),
        in_specs=[
            pl.BlockSpec((TILE, HIDDEN), lambda i: (i, 0)),
            pl.BlockSpec((HIDDEN, HIDDEN), full),
            pl.BlockSpec((1, HIDDEN), full),
        ],
        out_specs=pl.BlockSpec((TILE, HIDDEN), lambda i: (i, 0)),
        out_shape=jax.ShapeDtypeStruct((BATCH, HIDDEN), jnp.bfloat16),
        scratch_shapes=[pltpu.VMEM((HIDDEN, HIDDEN), jnp.bfloat16)],
    )(hidden, w1, b1)


def _kr_body(p_ref, g_ref, w2_ref, b2_ref, phi_ref,
             wn_ref, eps_ref, gout_ref, qout_ref, acc_ref):
    i = pl.program_id(0)

    @pl.when(i == 0)
    def _init():
        acc_ref[...] = jnp.zeros_like(acc_ref)

    p = p_ref[...].astype(jnp.float32)
    g32 = g_ref[...]
    glo = lax.bitcast_convert_type(lax.shift_left(g32, 16), jnp.float32)
    ghi = lax.bitcast_convert_type(g32 & jnp.int32(-65536), jnp.float32)
    g = jnp.concatenate([glo, ghi], axis=1)
    x = jnp.maximum(p + g, 0.0)
    acc_ref[...] += jnp.sum(x, axis=0, keepdims=True)

    @pl.when(i == pl.num_programs(0) - 1)
    def _tail():
        m = acc_ref[...] * (1.0 / BATCH)
        c = lax.dot_general(m, w2_ref[...], (((1,), (1,)), ((), ())),
                            preferred_element_type=jnp.float32) + b2_ref[...]
        q = lax.dot_general(c, phi_ref[...], (((1,), (1,)), ((), ())),
                            preferred_element_type=jnp.float32)
        s = lax.dot_general(c, wn_ref[...], (((1,), (1,)), ((), ())),
                            preferred_element_type=jnp.float32)
        sigma = jnp.maximum(s, 0.0) + jnp.log1p(jnp.exp(-jnp.abs(s)))
        qn = q + eps_ref[...] * sigma
        qout_ref[...] = qn
        iota = lax.broadcasted_iota(jnp.int32, (1, HOP_RANGE), 1)
        m1 = jnp.max(qn, axis=1, keepdims=True)
        i1 = jnp.min(jnp.where(qn == m1, iota, HOP_RANGE), axis=1,
                     keepdims=True)
        qm = jnp.where(iota == i1, -jnp.inf, qn)
        m2 = jnp.max(qm, axis=1, keepdims=True)
        i2 = jnp.min(jnp.where(qm == m2, iota, HOP_RANGE), axis=1,
                     keepdims=True)
        e = jnp.exp(m2 - m1)
        g1 = 1.0 / (1.0 + e)
        g2 = e / (1.0 + e)
        gout_ref[...] = jnp.where(iota == i1, g1,
                                  jnp.where(iota == i2, g2, 0.0))


def _kr(p_packed, gathered, w2, b2, phi, wn, eps):
    full = lambda i: (0, 0)
    return pl.pallas_call(
        _kr_body,
        grid=(N_TILES,),
        in_specs=[
            pl.BlockSpec((TILE, HIDDEN), lambda i: (i, 0)),
            pl.BlockSpec((TILE, HALF), lambda i: (i, 0)),
            pl.BlockSpec((HIDDEN, HIDDEN), full),
            pl.BlockSpec((1, HIDDEN), full),
            pl.BlockSpec((HOP_RANGE, HIDDEN), full),
            pl.BlockSpec((1, HIDDEN), full),
            pl.BlockSpec((1, HOP_RANGE), full),
        ],
        out_specs=[
            pl.BlockSpec((1, HOP_RANGE), full),
            pl.BlockSpec((1, HOP_RANGE), full),
        ],
        out_shape=[
            jax.ShapeDtypeStruct((1, HOP_RANGE), jnp.float32),
            jax.ShapeDtypeStruct((1, HOP_RANGE), jnp.float32),
        ],
        scratch_shapes=[pltpu.VMEM((1, HIDDEN), jnp.float32)],
    )(p_packed, gathered, w2, b2, phi, wn, eps)


def kernel(subs, rels, hidden, W1, b1, W2, b2, hop_emb, rel_emb, Wn):
    del subs
    table = _rel_proj(rel_emb, W1)
    gathered = _make_sc_gather()(table, rels.astype(jnp.int32))
    p_packed = _kp(hidden, W1, b1.reshape(1, HIDDEN))
    eps = jax.random.normal(jax.random.key(42), (HOP_RANGE,),
                            jnp.float32).reshape(1, HOP_RANGE)
    g_full, q = _kr(p_packed, gathered, W2, b2.reshape(1, HIDDEN),
                    hop_emb, Wn, eps)
    return g_full.reshape(HOP_RANGE), q.reshape(HOP_RANGE)

# --- scband reference (transcript-rebuilt; emitter-appended) ---
"""Pipeline reference for scband-mo-e-for-hops-26096221290518 (READ-ONLY COPY).

The authoritative reference and input builder live on the scoring server;
editing this copy changes nothing except your own understanding.
"""

import jax, jax.numpy as jnp
import numpy as np

BATCH = 4096
HIDDEN = 1024
N_ENT = 100000
N_REL = 200
REL_VOCAB = 2 * N_REL + 1
MIN_HOP = 1
MAX_HOP = 8
HOP_RANGE = MAX_HOP - MIN_HOP + 1
NUM_EXPERTS = 2
LAMBDA_NOISE = 1.0
TEMPERATURE = 1.0


def setup_inputs(seed: int = 0) -> dict:
    key = jax.random.key(seed)
    ks = jax.random.split(key, 10)
    subs = jax.random.randint(ks[0], (BATCH,), 0, N_ENT, dtype=jnp.int64 if jax.config.jax_enable_x64 else jnp.int32)
    rels = jax.random.randint(ks[1], (BATCH,), 0, REL_VOCAB, dtype=jnp.int64 if jax.config.jax_enable_x64 else jnp.int32)
    hidden = jax.random.normal(ks[2], (BATCH, HIDDEN), dtype=jnp.float32)
    W1 = jax.random.normal(ks[3], (HIDDEN, 2 * HIDDEN), dtype=jnp.float32) * 0.02
    b1 = jnp.zeros((HIDDEN,), dtype=jnp.float32)
    W2 = jax.random.normal(ks[4], (HIDDEN, HIDDEN), dtype=jnp.float32) * 0.02
    b2 = jnp.zeros((HIDDEN,), dtype=jnp.float32)
    hop_emb = jax.random.normal(ks[5], (HOP_RANGE, HIDDEN), dtype=jnp.float32) * 0.02
    rel_emb = jax.random.normal(ks[6], (REL_VOCAB, HIDDEN), dtype=jnp.float32) * 0.02
    Wn = jax.random.normal(ks[7], (1, HIDDEN), dtype=jnp.float32) * 0.02
    return {"subs": subs, "rels": rels, "hidden": hidden, "W1": W1, "b1": b1, "W2": W2, "b2": b2, "hop_emb": hop_emb, "rel_emb": rel_emb, "Wn": Wn}


def reference(subs, rels, hidden, W1, b1, W2, b2, hop_emb, rel_emb, Wn):
    # h_rq = relation_embed(rels)  -- embedding gather
    h_rq = jnp.take(rel_emb, rels, axis=0)
    batch_size = subs.shape[0]
    indices = jnp.arange(batch_size)
    h_rq_min = jnp.take(hidden, indices, axis=0)
    mlp_input = jnp.concatenate([h_rq_min, h_rq], axis=-1)
    # context_mlp: Linear(2h->h) -> ReLU -> Linear(h->h)
    c_i = jax.nn.relu(mlp_input @ W1.T + b1) @ W2.T + b2
    c_i = jnp.mean(c_i, axis=0, keepdims=True)  # [1, h]
    # hop embedding for hops min..max  -> phi_hop = hop_emb (identity gather)
    hops = jnp.arange(MIN_HOP, MAX_HOP + 1)
    phi_hop = jnp.take(hop_emb, hops - MIN_HOP, axis=0)  # [hop_range, h]
    Q = jnp.squeeze(c_i @ phi_hop.T, axis=0)  # [hop_range]
    # noise = randn_like(Q) * softplus(W_n(c_i))
    sigma = jnp.squeeze(jax.nn.softplus(c_i @ Wn.T), axis=0)  # [1]
    eps = jax.random.normal(jax.random.key(42), Q.shape, dtype=Q.dtype)
    noise = eps * sigma
    Q = Q + LAMBDA_NOISE * noise
    # top-k over hop range, softmax over selected, scatter back
    topk_values, topk_indices = jax.lax.top_k(Q, NUM_EXPERTS)
    G_topk = jax.nn.softmax(topk_values / TEMPERATURE, axis=0)
    G_full = jnp.zeros((HOP_RANGE,), dtype=Q.dtype).at[topk_indices].set(G_topk)
    return (G_full, Q)

if __name__ == "__main__":
    import jax
    _d = setup_inputs()
    print(jax.jit(kernel)(*tuple(_d.values())))

</pallas_src>

<mosaic_0001>
#map = affine_map<(d0, d1) -> (0, 0)>
#map1 = affine_map<(d0, d1) -> (0)>
module attributes {stable_mosaic.version = 14 : i64} {
  func.func @_sc_gather(%arg0: i32, %arg1: i32, %arg2: memref<401x512xi32, #tpu.memory_space<hbm>>, %arg3: memref<4096xi32, #tpu.memory_space<hbm>>, %arg4: memref<4096x512xi32, #tpu.memory_space<hbm>>, %arg5: memref<128xi32, #tpu.memory_space<vmem>>, %arg6: memref<128x512xi32, #tpu.memory_space<vmem>>, %arg7: memref<!tpu.dma_semaphore, #tpu.memory_space<semaphore_mem>>, %arg8: memref<!tpu.dma_semaphore, #tpu.memory_space<semaphore_mem>>) attributes {dimension_semantics = [#tpu.dimension_semantics<core_parallel>, #tpu.dimension_semantics<subcore_parallel>], iteration_bounds = array<i64: 2, 16>, scalar_prefetch = 0 : i64, scratch_operands = 4 : i64, tpu.core_type = #tpu.core_type<sc_vector_subcore>, window_params = [{transform_indices = #map}, {transform_indices = #map1}, {transform_indices = #map}]} {
    %mul3A = arith.constant 2 : i32
    %mul3A_0 = arith.muli %arg1, %mul3A : i32
    %add3A = arith.addi %mul3A_0, %arg0 : i32
    %mul3A_1 = arith.constant 128 : i32
    %mul3A_2 = arith.muli %add3A, %mul3A_1 : i32
    "tpu.region"() ({
      %run_scoped3A = tpu.sem_alloc : memref<!tpu.dma_semaphore, #tpu.memory_space<semaphore_mem>>
      %dma_start3A_15 = tpu.memref_slice %arg3[%mul3A_2] : memref<4096xi32, #tpu.memory_space<hbm>> -> memref<128xi32, #tpu.memory_space<hbm>>
      %dma_start3A_16 = tpu.memref_slice %arg3[%mul3A_2] : memref<4096xi32, #tpu.memory_space<hbm>> -> memref<128xi32, #tpu.memory_space<hbm>>
      tpu.enqueue_dma source(%dma_start3A_16 : memref<128xi32, #tpu.memory_space<hbm>>) target(%arg5 : memref<128xi32, #tpu.memory_space<vmem>>) target_semaphore(%run_scoped3A : memref<!tpu.dma_semaphore, #tpu.memory_space<semaphore_mem>>)
      %dma_wait3A_17 = tpu.memref_slice %arg3[%mul3A_2] : memref<4096xi32, #tpu.memory_space<hbm>> -> memref<128xi32, #tpu.memory_space<hbm>>
      %dma_wait3A_18 = tpu.memref_slice %arg3[%mul3A_2] : memref<4096xi32, #tpu.memory_space<hbm>> -> memref<128xi32, #tpu.memory_space<hbm>>
      tpu.wait_dma2 semaphore(%run_scoped3A : memref<!tpu.dma_semaphore, #tpu.memory_space<semaphore_mem>>) src(%dma_wait3A_18 : memref<128xi32, #tpu.memory_space<hbm>>) dst(%arg5 : memref<128xi32, #tpu.memory_space<vmem>>)
      tpu.yield
    }) : () -> ()
    %dma_start3A = arith.constant 0 : i32
    %dma_start3A_3 = arith.constant 0 : i32
    %dma_start3A_4 = tpu.memref_slice %arg2[%dma_start3A, %dma_start3A_3] : memref<401x512xi32, #tpu.memory_space<hbm>> -> memref<401x512xi32, #tpu.memory_space<hbm>>
    tpu.enqueue_indirect_dma source(%dma_start3A_4 : memref<401x512xi32, #tpu.memory_space<hbm>>) target(%arg6 : memref<128x512xi32, #tpu.memory_space<vmem>>) offsets(%arg5 : memref<128xi32, #tpu.memory_space<vmem>>) semaphore(%arg7 : memref<!tpu.dma_semaphore, #tpu.memory_space<semaphore_mem>>)
    %dma_wait3A = arith.constant 0 : i32
    %dma_wait3A_5 = arith.constant 0 : i32
    %dma_wait3A_6 = tpu.memref_slice %arg2[%dma_wait3A, %dma_wait3A_5] : memref<401x512xi32, #tpu.memory_space<hbm>> -> memref<401x512xi32, #tpu.memory_space<hbm>>
    tpu.wait_indirect_dma semaphore(%arg7 : memref<!tpu.dma_semaphore, #tpu.memory_space<semaphore_mem>>) src(%dma_wait3A_6 : memref<401x512xi32, #tpu.memory_space<hbm>>) dst(%arg6 : memref<128x512xi32, #tpu.memory_space<vmem>>)
    %dma_start3A_7 = arith.constant 0 : i32
    %dma_start3A_8 = tpu.memref_slice %arg4[%mul3A_2, %dma_start3A_7] : memref<4096x512xi32, #tpu.memory_space<hbm>> -> memref<128x512xi32, #tpu.memory_space<hbm>>
    %dma_start3A_9 = arith.constant 0 : i32
    %dma_start3A_10 = tpu.memref_slice %arg4[%mul3A_2, %dma_start3A_9] : memref<4096x512xi32, #tpu.memory_space<hbm>> -> memref<128x512xi32, #tpu.memory_space<hbm>>
    tpu.enqueue_dma source(%arg6 : memref<128x512xi32, #tpu.memory_space<vmem>>) target(%dma_start3A_10 : memref<128x512xi32, #tpu.memory_space<hbm>>) target_semaphore(%arg8 : memref<!tpu.dma_semaphore, #tpu.memory_space<semaphore_mem>>)
    %dma_wait3A_11 = arith.constant 0 : i32
    %dma_wait3A_12 = tpu.memref_slice %arg4[%mul3A_2, %dma_wait3A_11] : memref<4096x512xi32, #tpu.memory_space<hbm>> -> memref<128x512xi32, #tpu.memory_space<hbm>>
    %dma_wait3A_13 = arith.constant 0 : i32
    %dma_wait3A_14 = tpu.memref_slice %arg4[%mul3A_2, %dma_wait3A_13] : memref<4096x512xi32, #tpu.memory_space<hbm>> -> memref<128x512xi32, #tpu.memory_space<hbm>>
    tpu.wait_dma2 semaphore(%arg8 : memref<!tpu.dma_semaphore, #tpu.memory_space<semaphore_mem>>) src(%arg6 : memref<128x512xi32, #tpu.memory_space<vmem>>) dst(%dma_wait3A_14 : memref<128x512xi32, #tpu.memory_space<hbm>>)
    return
  }
}

module attributes {stable_mosaic.version = 14 : i64} {
  func.func @_kp_body(%arg0: i32, %arg1: memref<2048x1024xf32, #tpu.memory_space<vmem>>, %arg2: memref<1024x1024xf32, #tpu.memory_space<vmem>>, %arg3: memref<1x1024xf32, #tpu.memory_space<vmem>>, %arg4: memref<2048x1024xbf16, #tpu.memory_space<vmem>>, %arg5: memref<1024x1024xbf16, #tpu.memory_space<vmem>>) attributes {dimension_semantics = [#tpu.dimension_semantics<arbitrary>], iteration_bounds = array<i64: 2>, scalar_prefetch = 0 : i64, scratch_operands = 1 : i64, tpu.core_type = #tpu.core_type<tc>, window_params = [{transform_indices = @transform_0, window_bounds = array<i64: 2048, 1024>}, {transform_indices = @transform_1, window_bounds = array<i64: 1024, 1024>}, {pipeline_mode = #tpu.pipeline_mode<synchronous>, transform_indices = @transform_2, window_bounds = array<i64: 1, 1024>}, {transform_indices = @transform_3, window_bounds = array<i64: 2048, 1024>}]} {
    %eq3A = arith.constant 0 : i32
    %eq3A_0 = arith.cmpi eq, %arg0, %eq3A : i32
    %convert_element_type3A = arith.extui %eq3A_0 : i1 to i32
    %cond3A = arith.constant 0 : i32
    %cond3A_1 = arith.cmpi ne, %convert_element_type3A, %cond3A : i32
    scf.if %cond3A_1 {
      %get3A_16 = arith.constant 0 : index
      %get3A_17 = arith.constant 0 : index
      %get3A_18 = vector.load %arg2[%get3A_16, %get3A_17] : memref<1024x1024xf32, #tpu.memory_space<vmem>>, vector<1024x1024xf32>
      %convert_element_type3A_19 = arith.truncf %get3A_18 : vector<1024x1024xf32> to vector<1024x1024xbf16>
      %swap3A_20 = arith.constant 0 : index
      %swap3A_21 = arith.constant 0 : index
      %swap3A_22 = vector.load %arg5[%swap3A_20, %swap3A_21] : memref<1024x1024xbf16, #tpu.memory_space<vmem>>, vector<1024x1024xbf16>
      tpu.vector_store %arg5[%swap3A_20, %swap3A_21], %convert_element_type3A_19 {strides = array<i32>} : memref<1024x1024xbf16, #tpu.memory_space<vmem>>, vector<1024x1024xbf16>,
    } else {
    }
    %get3A = arith.constant 0 : index
    %get3A_2 = arith.constant 0 : index
    %get3A_3 = vector.load %arg1[%get3A, %get3A_2] : memref<2048x1024xf32, #tpu.memory_space<vmem>>, vector<2048x1024xf32>
    %convert_element_type3A_4 = arith.truncf %get3A_3 : vector<2048x1024xf32> to vector<2048x1024xbf16>
    %get3A_5 = arith.constant 0 : index
    %get3A_6 = arith.constant 0 : index
    %get3A_7 = vector.load %arg5[%get3A_5, %get3A_6] : memref<1024x1024xbf16, #tpu.memory_space<vmem>>, vector<1024x1024xbf16>
    %dot_general3A = arith.constant dense<0.000000e+00> : vector<2048x1024xf32>
    %dot_general3A_8 = tpu.matmul %convert_element_type3A_4, %get3A_7, %dot_general3A {dimension_numbers = #tpu.dot_dimension_numbers<[1], [1], [0], [0], [0, 0, 1, 0], [], []>, transpose_lhs_hint = false} : vector<2048x1024xbf16>, vector<1024x1024xbf16>, vector<2048x1024xf32> -> vector<2048x1024xf32>
    %get3A_9 = arith.constant 0 : index
    %get3A_10 = arith.constant 0 : index
    %get3A_11 = vector.load %arg3[%get3A_9, %get3A_10] : memref<1x1024xf32, #tpu.memory_space<vmem>>, vector<1x1024xf32>
    %add3A = vector.broadcast %get3A_11 : vector<1x1024xf32> to vector<2048x1024xf32>
    %add3A_12 = arith.addf %dot_general3A_8, %add3A : vector<2048x1024xf32>
    %convert_element_type3A_13 = arith.truncf %add3A_12 : vector<2048x1024xf32> to vector<2048x1024xbf16>
    %swap3A = arith.constant 0 : index
    %swap3A_14 = arith.constant 0 : index
    %swap3A_15 = vector.load %arg4[%swap3A, %swap3A_14] : memref<2048x1024xbf16, #tpu.memory_space<vmem>>, vector<2048x1024xbf16>
    tpu.vector_store %arg4[%swap3A, %swap3A_14], %convert_element_type3A_13 {strides = array<i32>} : memref<2048x1024xbf16, #tpu.memory_space<vmem>>, vector<2048x1024xbf16>,
    return
  }
  func.func @transform_0(%arg0: i32) -> (i32, i32) {
    %c0_i32 = arith.constant 0 : i32
    %c0_i32_0 = arith.constant 0 : i32
    return %arg0, %c0_i32 : i32, i32
  }
  func.func @transform_1(%arg0: i32) -> (i32, i32) {
    %c0_i32 = arith.constant 0 : i32
    %c0_i32_0 = arith.constant 0 : i32
    %c0_i32_1 = arith.constant 0 : i32
    return %c0_i32, %c0_i32_0 : i32, i32
  }
  func.func @transform_2(%arg0: i32) -> (i32, i32) {
    %c0_i32 = arith.constant 0 : i32
    %c0_i32_0 = arith.constant 0 : i32
    %c0_i32_1 = arith.constant 0 : i32
    return %c0_i32, %c0_i32_0 : i32, i32
  }
  func.func @transform_3(%arg0: i32) -> (i32, i32) {
    %c0_i32 = arith.constant 0 : i32
    %c0_i32_0 = arith.constant 0 : i32
    return %arg0, %c0_i32 : i32, i32
  }
}

module attributes {stable_mosaic.version = 14 : i64} {
  func.func @_rp_body(%arg0: i32, %arg1: memref<401x1024xf32, #tpu.memory_space<vmem>>, %arg2: memref<1024x1024xf32, #tpu.memory_space<vmem>>, %arg3: memref<401x512xi32, #tpu.memory_space<vmem>>) attributes {dimension_semantics = [#tpu.dimension_semantics<arbitrary>], iteration_bounds = array<i64: 1>, scalar_prefetch = 0 : i64, scratch_operands = 0 : i64, tpu.core_type = #tpu.core_type<tc>, window_params = [{pipeline_mode = #tpu.pipeline_mode<synchronous>, transform_indices = @transform_0, window_bounds = array<i64: 401, 1024>}, {transform_indices = @transform_1, window_bounds = array<i64: 1024, 1024>}, {pipeline_mode = #tpu.pipeline_mode<synchronous>, transform_indices = @transform_2, window_bounds = array<i64: 401, 512>}]} {
    %get3A = arith.constant 0 : index
    %get3A_0 = arith.constant 0 : index
    %get3A_1 = vector.load %arg1[%get3A, %get3A_0] : memref<401x1024xf32, #tpu.memory_space<vmem>>, vector<401x1024xf32>
    %convert_element_type3A = arith.truncf %get3A_1 : vector<401x1024xf32> to vector<401x1024xbf16>
    %get3A_2 = arith.constant 0 : index
    %get3A_3 = arith.constant 0 : index
    %get3A_4 = vector.load %arg2[%get3A_2, %get3A_3] : memref<1024x1024xf32, #tpu.memory_space<vmem>>, vector<1024x1024xf32>
    %convert_element_type3A_5 = arith.truncf %get3A_4 : vector<1024x1024xf32> to vector<1024x1024xbf16>
    %dot_general3A = arith.constant dense<0.000000e+00> : vector<401x1024xf32>
    %dot_general3A_6 = tpu.matmul %convert_element_type3A, %convert_element_type3A_5, %dot_general3A {dimension_numbers = #tpu.dot_dimension_numbers<[1], [1], [0], [0], [0, 0, 1, 0], [], []>, transpose_lhs_hint = false} : vector<401x1024xbf16>, vector<1024x1024xbf16>, vector<401x1024xf32> -> vector<401x1024xf32>
    %slice3A = vector.extract_strided_slice %dot_general3A_6 {offsets = [0, 0], sizes = [401, 512], strides = [1, 1]} : vector<401x1024xf32> to vector<401x512xf32>
    %convert_element_type3A_7 = arith.truncf %slice3A : vector<401x512xf32> to vector<401x512xbf16>
    %convert_element_type3A_8 = arith.extf %convert_element_type3A_7 : vector<401x512xbf16> to vector<401x512xf32>
    %bitcast_convert_type3A = tpu.bitcast %convert_element_type3A_8 : vector<401x512xf32> -> vector<401x512xi32>
    %slice3A_9 = vector.extract_strided_slice %dot_general3A_6 {offsets = [0, 512], sizes = [401, 512], strides = [1, 1]} : vector<401x1024xf32> to vector<401x512xf32>
    %convert_element_type3A_10 = arith.truncf %slice3A_9 : vector<401x512xf32> to vector<401x512xbf16>
    %convert_element_type3A_11 = arith.extf %convert_element_type3A_10 : vector<401x512xbf16> to vector<401x512xf32>
    %bitcast_convert_type3A_12 = tpu.bitcast %convert_element_type3A_11 : vector<401x512xf32> -> vector<401x512xi32>
    %shift_right_logical3A = arith.constant 16 : i32
    %shift_right_logical3A_13 = vector.broadcast %shift_right_logical3A : i32 to vector<401x512xi32>
    %shift_right_logical3A_14 = arith.shrui %bitcast_convert_type3A, %shift_right_logical3A_13 : vector<401x512xi32>
    %or3A = arith.ori %bitcast_convert_type3A_12, %shift_right_logical3A_14 : vector<401x512xi32>
    %swap3A = arith.constant 0 : index
    %swap3A_15 = arith.constant 0 : index
    %swap3A_16 = vector.load %arg3[%swap3A, %swap3A_15] : memref<401x512xi32, #tpu.memory_space<vmem>>, vector<401x512xi32>
    tpu.vector_store %arg3[%swap3A, %swap3A_15], %or3A {strides = array<i32>} : memref<401x512xi32, #tpu.memory_space<vmem>>, vector<401x512xi32>,
    return
  }
  func.func @transform_0(%arg0: i32) -> (i32, i32) {
    %c0_i32 = arith.constant 0 : i32
    %c0_i32_0 = arith.constant 0 : i32
    %c0_i32_1 = arith.constant 0 : i32
    return %c0_i32, %c0_i32_0 : i32, i32
  }
  func.func @transform_1(%arg0: i32) -> (i32, i32) {
    %c0_i32 = arith.constant 0 : i32
    %c1_i32 = arith.constant 1 : i32
    %c0_i32_0 = arith.constant 0 : i32
    return %c0_i32, %c1_i32 : i32, i32
  }
  func.func @transform_2(%arg0: i32) -> (i32, i32) {
    %c0_i32 = arith.constant 0 : i32
    %c0_i32_0 = arith.constant 0 : i32
    %c0_i32_1 = arith.constant 0 : i32
    return %c0_i32, %c0_i32_0 : i32, i32
  }
}

module attributes {stable_mosaic.version = 14 : i64} {
  func.func @_kr_body(%arg0: i32, %arg1: memref<2048x1024xbf16, #tpu.memory_space<vmem>>, %arg2: memref<2048x512xi32, #tpu.memory_space<vmem>>, %arg3: memref<1024x1024xf32, #tpu.memory_space<vmem>>, %arg4: memref<1x1024xf32, #tpu.memory_space<vmem>>, %arg5: memref<8x1024xf32, #tpu.memory_space<vmem>>, %arg6: memref<1x1024xf32, #tpu.memory_space<vmem>>, %arg7: memref<1x8xf32, #tpu.memory_space<vmem>>, %arg8: memref<1x8xf32, #tpu.memory_space<vmem>>, %arg9: memref<1x8xf32, #tpu.memory_space<vmem>>, %arg10: memref<1x1024xf32, #tpu.memory_space<vmem>>) attributes {dimension_semantics = [#tpu.dimension_semantics<arbitrary>], iteration_bounds = array<i64: 2>, scalar_prefetch = 0 : i64, scratch_operands = 1 : i64, tpu.core_type = #tpu.core_type<tc>, window_params = [{transform_indices = @transform_0, window_bounds = array<i64: 2048, 1024>}, {transform_indices = @transform_1, window_bounds = array<i64: 2048, 512>}, {pipeline_mode = #tpu.pipeline_mode<synchronous>, transform_indices = @transform_2, window_bounds = array<i64: 1024, 1024>}, {pipeline_mode = #tpu.pipeline_mode<synchronous>, transform_indices = @transform_3, window_bounds = array<i64: 1, 1024>}, {pipeline_mode = #tpu.pipeline_mode<synchronous>, transform_indices = @transform_4, window_bounds = array<i64: 8, 1024>}, {pipeline_mode = #tpu.pipeline_mode<synchronous>, transform_indices = @transform_5, window_bounds = array<i64: 1, 1024>}, {pipeline_mode = #tpu.pipeline_mode<synchronous>, transform_indices = @transform_6, window_bounds = array<i64: 1, 8>}, {pipeline_mode = #tpu.pipeline_mode<synchronous>, transform_indices = @transform_7, window_bounds = array<i64: 1, 8>}, {pipeline_mode = #tpu.pipeline_mode<synchronous>, transform_indices = @transform_8, window_bounds = array<i64: 1, 8>}]} {
    %eq3A = arith.constant 0 : i32
    %eq3A_0 = arith.cmpi eq, %arg0, %eq3A : i32
    %convert_element_type3A = arith.extui %eq3A_0 : i1 to i32
    %cond3A = arith.constant 0 : i32
    %cond3A_1 = arith.cmpi ne, %convert_element_type3A, %cond3A : i32
    scf.if %cond3A_1 {
      %broadcast_in_dim3A_27 = arith.constant 0.000000e+00 : f32
      %broadcast_in_dim3A_28 = vector.broadcast %broadcast_in_dim3A_27 : f32 to vector<1x1024xf32>
      %swap3A_29 = arith.constant 0 : index
      %swap3A_30 = arith.constant 0 : index
      %swap3A_31 = vector.load %arg10[%swap3A_29, %swap3A_30] : memref<1x1024xf32, #tpu.memory_space<vmem>>, vector<1x1024xf32>
      tpu.vector_store %arg10[%swap3A_29, %swap3A_30], %broadcast_in_dim3A_28 {strides = array<i32>} : memref<1x1024xf32, #tpu.memory_space<vmem>>, vector<1x1024xf32>,
    } else {
    }
    %get3A = arith.constant 0 : index
    %get3A_2 = arith.constant 0 : index
    %get3A_3 = vector.load %arg1[%get3A, %get3A_2] : memref<2048x1024xbf16, #tpu.memory_space<vmem>>, vector<2048x1024xbf16>
    %convert_element_type3A_4 = arith.extf %get3A_3 : vector<2048x1024xbf16> to vector<2048x1024xf32>
    %get3A_5 = arith.constant 0 : index
    %get3A_6 = arith.constant 0 : index
    %get3A_7 = vector.load %arg2[%get3A_5, %get3A_6] : memref<2048x512xi32, #tpu.memory_space<vmem>>, vector<2048x512xi32>
    %shift_left3A = arith.constant 16 : i32
    %shift_left3A_8 = vector.broadcast %shift_left3A : i32 to vector<2048x512xi32>
    %shift_left3A_9 = arith.shli %get3A_7, %shift_left3A_8 : vector<2048x512xi32>
    %bitcast_convert_type3A = tpu.bitcast %shift_left3A_9 : vector<2048x512xi32> -> vector<2048x512xf32>
    %and3A = arith.constant -65536 : i32
    %and3A_10 = vector.broadcast %and3A : i32 to vector<2048x512xi32>
    %and3A_11 = arith.andi %get3A_7, %and3A_10 : vector<2048x512xi32>
    %bitcast_convert_type3A_12 = tpu.bitcast %and3A_11 : vector<2048x512xi32> -> vector<2048x512xf32>
    %concatenate3A = tpu.concatenate %bitcast_convert_type3A, %bitcast_convert_type3A_12 in 1 : vector<2048x512xf32>, vector<2048x512xf32> -> vector<2048x1024xf32>
    %add3A = arith.addf %convert_element_type3A_4, %concatenate3A : vector<2048x1024xf32>
    %max3A = arith.constant 0.000000e+00 : f32
    %max3A_13 = vector.broadcast %max3A : f32 to vector<2048x1024xf32>
    %max3A_14 = arith.maximumf %add3A, %max3A_13 : vector<2048x1024xf32>
    %get3A_15 = arith.constant 0 : index
    %get3A_16 = arith.constant 0 : index
    %get3A_17 = vector.load %arg10[%get3A_15, %get3A_16] : memref<1x1024xf32, #tpu.memory_space<vmem>>, vector<1x1024xf32>
    %reduce_sum3A = arith.constant dense<0.000000e+00> : vector<1024xf32>
    %reduce_sum3A_18 = vector.multi_reduction <add>, %max3A_14, %reduce_sum3A [0] : vector<2048x1024xf32> to vector<1024xf32>
    %broadcast_in_dim3A = vector.shape_cast %reduce_sum3A_18 : vector<1024xf32> to vector<1x1024xf32>
    %add3A_19 = arith.addf %get3A_17, %broadcast_in_dim3A : vector<1x1024xf32>
    %swap3A = arith.constant 0 : index
    %swap3A_20 = arith.constant 0 : index
    %swap3A_21 = vector.load %arg10[%swap3A, %swap3A_20] : memref<1x1024xf32, #tpu.memory_space<vmem>>, vector<1x1024xf32>
    tpu.vector_store %arg10[%swap3A, %swap3A_20], %add3A_19 {strides = array<i32>} : memref<1x1024xf32, #tpu.memory_space<vmem>>, vector<1x1024xf32>,
    %eq3A_22 = arith.constant 1 : i32
    %eq3A_23 = arith.cmpi eq, %arg0, %eq3A_22 : i32
    %convert_element_type3A_24 = arith.extui %eq3A_23 : i1 to i32
    %cond3A_25 = arith.constant 0 : i32
    %cond3A_26 = arith.cmpi ne, %convert_element_type3A_24, %cond3A_25 : i32
    scf.if %cond3A_26 {
      %get3A_27 = arith.constant 0 : index
      %get3A_28 = arith.constant 0 : index
      %get3A_29 = vector.load %arg10[%get3A_27, %get3A_28] : memref<1x1024xf32, #tpu.memory_space<vmem>>, vector<1x1024xf32>
      %mul3A = arith.constant 2.44140625E-4 : f32
      %mul3A_30 = vector.broadcast %mul3A : f32 to vector<1x1024xf32>
      %mul3A_31 = arith.mulf %get3A_29, %mul3A_30 : vector<1x1024xf32>
      %get3A_32 = arith.constant 0 : index
      %get3A_33 = arith.constant 0 : index
      %get3A_34 = vector.load %arg3[%get3A_32, %get3A_33] : memref<1024x1024xf32, #tpu.memory_space<vmem>>, vector<1024x1024xf32>
      %dot_general3A = arith.constant dense<0.000000e+00> : vector<1x1024xf32>
      %dot_general3A_35 = tpu.matmul %mul3A_31, %get3A_34, %dot_general3A {dimension_numbers = #tpu.dot_dimension_numbers<[1], [1], [0], [0], [0, 0, 1, 0], [], []>, transpose_lhs_hint = false} : vector<1x1024xf32>, vector<1024x1024xf32>, vector<1x1024xf32> -> vector<1x1024xf32>
      %get3A_36 = arith.constant 0 : index
      %get3A_37 = arith.constant 0 : index
      %get3A_38 = vector.load %arg4[%get3A_36, %get3A_37] : memref<1x1024xf32, #tpu.memory_space<vmem>>, vector<1x1024xf32>
      %add3A_39 = arith.addf %dot_general3A_35, %get3A_38 : vector<1x1024xf32>
      %get3A_40 = arith.constant 0 : index
      %get3A_41 = arith.constant 0 : index
      %get3A_42 = vector.load %arg5[%get3A_40, %get3A_41] : memref<8x1024xf32, #tpu.memory_space<vmem>>, vector<8x1024xf32>
      %dot_general3A_43 = arith.constant dense<0.000000e+00> : vector<1x8xf32>
      %dot_general3A_44 = tpu.matmul %add3A_39, %get3A_42, %dot_general3A_43 {dimension_numbers = #tpu.dot_dimension_numbers<[1], [1], [0], [0], [0, 0, 1, 0], [], []>, transpose_lhs_hint = false} : vector<1x1024xf32>, vector<8x1024xf32>, vector<1x8xf32> -> vector<1x8xf32>
      %get3A_45 = arith.constant 0 : index
      %get3A_46 = arith.constant 0 : index
      %get3A_47 = vector.load %arg6[%get3A_45, %get3A_46] : memref<1x1024xf32, #tpu.memory_space<vmem>>, vector<1x1024xf32>
      %dot_general3A_48 = arith.constant dense<0.000000e+00> : vector<1x1xf32>
      %dot_general3A_49 = tpu.matmul %add3A_39, %get3A_47, %dot_general3A_48 {dimension_numbers = #tpu.dot_dimension_numbers<[1], [1], [0], [0], [0, 0, 1, 0], [], []>, transpose_lhs_hint = false} : vector<1x1024xf32>, vector<1x1024xf32>, vector<1x1xf32> -> vector<1x1xf32>
      %max3A_50 = arith.constant 0.000000e+00 : f32
      %max3A_51 = vector.broadcast %max3A_50 : f32 to vector<1x1xf32>
      %max3A_52 = arith.maximumf %dot_general3A_49, %max3A_51 : vector<1x1xf32>
      %abs3A = math.absf %dot_general3A_49 : vector<1x1xf32>
      %neg3A = arith.constant 0.000000e+00 : f32
      %neg3A_53 = vector.broadcast %neg3A : f32 to vector<1x1xf32>
      %neg3A_54 = arith.subf %neg3A_53, %abs3A : vector<1x1xf32>
      %exp3A = math.exp %neg3A_54 : vector<1x1xf32>
      %log1p3A = math.log1p %exp3A : vector<1x1xf32>
      %add3A_55 = arith.addf %max3A_52, %log1p3A : vector<1x1xf32>
      %get3A_56 = arith.constant 0 : index
      %get3A_57 = arith.constant 0 : index
      %get3A_58 = vector.load %arg7[%get3A_56, %get3A_57] : memref<1x8xf32, #tpu.memory_space<vmem>>, vector<1x8xf32>
      %mul3A_59 = vector.broadcast %add3A_55 : vector<1x1xf32> to vector<1x8xf32>
      %mul3A_60 = arith.mulf %get3A_58, %mul3A_59 : vector<1x8xf32>
      %add3A_61 = arith.addf %dot_general3A_44, %mul3A_60 : vector<1x8xf32>
      %swap3A_62 = arith.constant 0 : index
      %swap3A_63 = arith.constant 0 : index
      %swap3A_64 = vector.load %arg9[%swap3A_62, %swap3A_63] : memref<1x8xf32, #tpu.memory_space<vmem>>, vector<1x8xf32>
      tpu.vector_store %arg9[%swap3A_62, %swap3A_63], %add3A_61 {strides = array<i32>} : memref<1x8xf32, #tpu.memory_space<vmem>>, vector<1x8xf32>,
      %iota3A = tpu.iota {dimensions = array<i32: 1>} : vector<1x8xi32>
      %reduce_max3A = arith.constant dense<0xFF800000> : vector<1xf32>
      %reduce_max3A_65 = vector.multi_reduction <maximumf>, %add3A_61, %reduce_max3A [1] : vector<1x8xf32> to vector<1xf32>
      %broadcast_in_dim3A_66 = vector.shape_cast %reduce_max3A_65 : vector<1xf32> to vector<1x1xf32>
      %eq3A_67 = vector.broadcast %broadcast_in_dim3A_66 : vector<1x1xf32> to vector<1x8xf32>
      %eq3A_68 = arith.cmpf oeq, %add3A_61, %eq3A_67 : vector<1x8xf32>
      %jit3A = arith.constant 8 : i32
      %broadcast_in_dim3A_69 = vector.broadcast %jit3A : i32 to vector<1x8xi32>
      %select_n3A = arith.select %eq3A_68, %iota3A, %broadcast_in_dim3A_69 : vector<1x8xi1>, vector<1x8xi32>
      %reduce_min3A = arith.constant dense<2147483647> : vector<1xi32>
      %reduce_min3A_70 = vector.multi_reduction <minsi>, %select_n3A, %reduce_min3A [1] : vector<1x8xi32> to vector<1xi32>
      %broadcast_in_dim3A_71 = vector.shape_cast %reduce_min3A_70 : vector<1xi32> to vector<1x1xi32>
      %eq3A_72 = vector.broadcast %broadcast_in_dim3A_71 : vector<1x1xi32> to vector<1x8xi32>
      %eq3A_73 = arith.cmpi eq, %iota3A, %eq3A_72 : vector<1x8xi32>
      %jit3A_74 = arith.constant 0xFF800000 : f32
      %broadcast_in_dim3A_75 = vector.broadcast %jit3A_74 : f32 to vector<1x8xf32>
      %select_n3A_76 = arith.select %eq3A_73, %broadcast_in_dim3A_75, %add3A_61 : vector<1x8xi1>, vector<1x8xf32>
      %reduce_max3A_77 = arith.constant dense<0xFF800000> : vector<1xf32>
      %reduce_max3A_78 = vector.multi_reduction <maximumf>, %select_n3A_76, %reduce_max3A_77 [1] : vector<1x8xf32> to vector<1xf32>
      %broadcast_in_dim3A_79 = vector.shape_cast %reduce_max3A_78 : vector<1xf32> to vector<1x1xf32>
      %eq3A_80 = vector.broadcast %broadcast_in_dim3A_79 : vector<1x1xf32> to vector<1x8xf32>
      %eq3A_81 = arith.cmpf oeq, %select_n3A_76, %eq3A_80 : vector<1x8xf32>
      %jit3A_82 = arith.constant 8 : i32
      %broadcast_in_dim3A_83 = vector.broadcast %jit3A_82 : i32 to vector<1x8xi32>
      %select_n3A_84 = arith.select %eq3A_81, %iota3A, %broadcast_in_dim3A_83 : vector<1x8xi1>, vector<1x8xi32>
      %reduce_min3A_85 = arith.constant dense<2147483647> : vector<1xi32>
      %reduce_min3A_86 = vector.multi_reduction <minsi>, %select_n3A_84, %reduce_min3A_85 [1] : vector<1x8xi32> to vector<1xi32>
      %broadcast_in_dim3A_87 = vector.shape_cast %reduce_min3A_86 : vector<1xi32> to vector<1x1xi32>
      %sub3A = arith.subf %broadcast_in_dim3A_79, %broadcast_in_dim3A_66 : vector<1x1xf32>
      %exp3A_88 = math.exp %sub3A : vector<1x1xf32>
      %add3A_89 = arith.constant 1.000000e+00 : f32
      %add3A_90 = vector.broadcast %add3A_89 : f32 to vector<1x1xf32>
      %add3A_91 = arith.addf %add3A_90, %exp3A_88 : vector<1x1xf32>
      %div3A = arith.constant 1.000000e+00 : f32
      %div3A_92 = vector.broadcast %div3A : f32 to vector<1x1xf32>
      %div3A_93 = arith.divf %div3A_92, %add3A_91 : vector<1x1xf32>
      %add3A_94 = arith.constant 1.000000e+00 : f32
      %add3A_95 = vector.broadcast %add3A_94 : f32 to vector<1x1xf32>
      %add3A_96 = arith.addf %add3A_95, %exp3A_88 : vector<1x1xf32>
      %div3A_97 = arith.divf %exp3A_88, %add3A_96 : vector<1x1xf32>
      %eq3A_98 = vector.broadcast %broadcast_in_dim3A_71 : vector<1x1xi32> to vector<1x8xi32>
      %eq3A_99 = arith.cmpi eq, %iota3A, %eq3A_98 : vector<1x8xi32>
      %eq3A_100 = vector.broadcast %broadcast_in_dim3A_87 : vector<1x1xi32> to vector<1x8xi32>
      %eq3A_101 = arith.cmpi eq, %iota3A, %eq3A_100 : vector<1x8xi32>
      %jit3A_102 = arith.constant 0.000000e+00 : f32
      %broadcast_in_dim3A_103 = vector.shape_cast %div3A_97 : vector<1x1xf32> to vector<1x1xf32>
      %broadcast_in_dim3A_104 = vector.broadcast %broadcast_in_dim3A_103 : vector<1x1xf32> to vector<1x8xf32>
      %broadcast_in_dim3A_105 = vector.broadcast %jit3A_102 : f32 to vector<1x8xf32>
      %select_n3A_106 = arith.select %eq3A_101, %broadcast_in_dim3A_104, %broadcast_in_dim3A_105 : vector<1x8xi1>, vector<1x8xf32>
      %broadcast_in_dim3A_107 = vector.shape_cast %div3A_93 : vector<1x1xf32> to vector<1x1xf32>
      %broadcast_in_dim3A_108 = vector.broadcast %broadcast_in_dim3A_107 : vector<1x1xf32> to vector<1x8xf32>
      %select_n3A_109 = arith.select %eq3A_99, %broadcast_in_dim3A_108, %select_n3A_106 : vector<1x8xi1>, vector<1x8xf32>
      %swap3A_110 = arith.constant 0 : index
      %swap3A_111 = arith.constant 0 : index
      %swap3A_112 = vector.load %arg8[%swap3A_110, %swap3A_111] : memref<1x8xf32, #tpu.memory_space<vmem>>, vector<1x8xf32>
      tpu.vector_store %arg8[%swap3A_110, %swap3A_111], %select_n3A_109 {strides = array<i32>} : memref<1x8xf32, #tpu.memory_space<vmem>>, vector<1x8xf32>,
    } else {
    }
    return
  }
  func.func @transform_0(%arg0: i32) -> (i32, i32) {
    %c0_i32 = arith.constant 0 : i32
    %c0_i32_0 = arith.constant 0 : i32
    return %arg0, %c0_i32 : i32, i32
  }
  func.func @transform_1(%arg0: i32) -> (i32, i32) {
    %c0_i32 = arith.constant 0 : i32
    %c0_i32_0 = arith.constant 0 : i32
    return %arg0, %c0_i32 : i32, i32
  }
  func.func @transform_2(%arg0: i32) -> (i32, i32) {
    %c0_i32 = arith.constant 0 : i32
    %c0_i32_0 = arith.constant 0 : i32
    %c0_i32_1 = arith.constant 0 : i32
    return %c0_i32, %c0_i32_0 : i32, i32
  }
  func.func @transform_3(%arg0: i32) -> (i32, i32) {
    %c0_i32 = arith.constant 0 : i32
    %c0_i32_0 = arith.constant 0 : i32
    %c0_i32_1 = arith.constant 0 : i32
    return %c0_i32, %c0_i32_0 : i32, i32
  }
  func.func @transform_4(%arg0: i32) -> (i32, i32) {
    %c0_i32 = arith.constant 0 : i32
    %c0_i32_0 = arith.constant 0 : i32
    %c0_i32_1 = arith.constant 0 : i32
    return %c0_i32, %c0_i32_0 : i32, i32
  }
  func.func @transform_5(%arg0: i32) -> (i32, i32) {
    %c0_i32 = arith.constant 0 : i32
    %c0_i32_0 = arith.constant 0 : i32
    %c0_i32_1 = arith.constant 0 : i32
    return %c0_i32, %c0_i32_0 : i32, i32
  }
  func.func @transform_6(%arg0: i32) -> (i32, i32) {
    %c0_i32 = arith.constant 0 : i32
    %c0_i32_0 = arith.constant 0 : i32
    %c0_i32_1 = arith.constant 0 : i32
    return %c0_i32, %c0_i32_0 : i32, i32
  }
  func.func @transform_7(%arg0: i32) -> (i32, i32) {
    %c0_i32 = arith.constant 0 : i32
    %c0_i32_0 = arith.constant 0 : i32
    %c0_i32_1 = arith.constant 0 : i32
    return %c0_i32, %c0_i32_0 : i32, i32
  }
  func.func @transform_8(%arg0: i32) -> (i32, i32) {
    %c0_i32 = arith.constant 0 : i32
    %c0_i32_0 = arith.constant 0 : i32
    %c0_i32_1 = arith.constant 0 : i32
    return %c0_i32, %c0_i32_0 : i32, i32
  }
}

</mosaic_0001>

<sc_bundles>
// kernel: kernel.6.cloned.1.call-start
scs
__scs_entry_jumppad:
0x0: {  	(pc) =	sbr.rel $0x88, $3  }
0x1: {  	(tag) =	ssettag $0x0;
	lr =	simm.s32 $0x1  }
0x2: {  	[smem:$0x3F98] =	sst lr;
	_ =	strace $0xD0000000  }
0x3: {  	_ = 	snop  }
0x4: {  	_ = 	snop  }
0x5: {  	_ = 	snop  }
0x6: {  	_ = 	snop  }
0x7: {  	_ = 	snop  }
__scs_overlays_trampoline_lowered:
0x8: {  	[smem:$0x3FA7] =	sst s0  }
0x9: {  	[smem:$0x3FA8] =	sst s1  }
0xa: {  	[smem:$0x3FA9] =	sst s2  }
0xb: {  	[smem:$0x3FAA] =	sst s3  }
0xc: {  	[smem:$0x3FAB] =	sst s4  }
0xd: {  	[smem:$0x3FAC] =	sst s5  }
0xe: {  	[smem:$0x3FAD] =	sst s6  }
0xf: {  	[smem:$0x3FAE] =	sst s7  }
0x10: {  	[smem:$0x3FAF] =	sst s8  }
0x11: {  	[smem:$0x3FB0] =	sst s9;
	s0 =	simm.s32 @!p0 $0x0  }
0x12: {  	s1 =	sld [smem:$0x3F96];
	s0 =	simm.s32 @p0 $0x1  }
0x13: {  	[smem:$0x3FB1] =	sst s0;
	s0 =	simm.s32 @!p1 $0x0  }
0x14: {  	s2 =	sld [smem:$0x3F95];
	s0 =	simm.s32 @p1 $0x1  }
0x15: {  	[smem:$0x3FB2] =	sst s0;
	s0 =	simm.s32 @!p2 $0x0  }
0x16: {  	s3 =	sld [smem:$0x3FDB];
	s0 =	simm.s32 @p2 $0x1  }
0x17: {  	s4 =	simm.s32 $0x1BF5;
	[smem:$0x3FB4] =	sst s0  }
0x18: {  	s0 =	sld [smem:$0x3F97];
	_ =	swait.ge [sflag:s4], $0x0  }
0x19: {  	s7 =	sld [smem:$0x3F98]  }
0x1a: {  	s8 =	sadd.s32 $0xFFFFE003, lr  }
0x1b: {  	s9 =	sadd.s32 $0xFFFFFEF7, lr;
	s5 =	simm.s32 $0xFFFFFFFF;
	p2 =	slt.u32 s8, $0xFFFFF086  }
0x1c: {  	p1 =	slt.u32 s9, $0xF7A;
	s5 =	simm.s32 @!p2 $0x0  }
0x1d: {  	s5 =	simm.s32 @p1 $0x1;
	p0 =	seq.s32 s7, s2  }
0x1e: {  	s7 =	smul.u32 @!p0 $0xF7A, s2;
	p2 =	seq.s32 @!p0 s5, $0x0  }
0x1f: {  	s9 =	smul.u32 $0xF7A, s1;
	s8 =	simm.s32 @!p0 $0x1BF5;
	p2 =	por !p2, p0  }
0x20: {  	[sflag:s8] =	ssyncset.s32 @!p0 $0xFFFFF086;
	s6 =	sadd.s32 @!p0 s3, s7;
	s7 =	simm.s32 @!p0 $0x108  }
0x21: {  	s3 =	sadd.s32 s3, s9;
	s6 =	sadd.s32 @!p0 $0x88, s6;
	s7 =	simm.s32 @p2 $0x1082  }
0x22: {  	[simem:s7], [sflag:s8] =	dma.local @!p0 [hbm:s6], $0xF7A  }
0x23: {  	s9 =	sor.u32 $0xD0000000, s2;
	s6 =	simm.s32 $0x108;
	_ =	swait.ge @!p0 [sflag:s8], $0x0  }
0x24: {  	s3 =	sadd.s32 $0x88, s3;
	s6 =	simm.s32 @!p1 $0x1082;
	[sflag:s4] =	ssyncset.s32 $0xFFFFF086  }
0x25: {  	[simem:s6], [sflag:s4] =	dma.local [hbm:s3], $0xF7A  }
0x26: {  	[smem:$0x3F98] =	sst s1;
	(tag) =	ssettag s2;
	_ =	strace s9  }
0x27: {  	s1 =	sld [smem:$0x3FA8]  }
0x28: {  	s2 =	sld [smem:$0x3FA9]  }
0x29: {  	s4 =	sld [smem:$0x3FAB]  }
0x2a: {  	p0 =	seq.s32 s5, $0x0;
	s5 =	sld [smem:$0x3FAC]  }
0x2b: {  	s6 =	sld [smem:$0x3FAD]  }
0x2c: {  	s7 =	sld [smem:$0x3FAE]  }
0x2d: {  	s3 =	simm.s32 $0x108;
	s8 =	sld [smem:$0x3FAF]  }
0x2e: {  	s3 =	simm.s32 @!p0 $0x1082;
	s9 =	sld [smem:$0x3FB0]  }
0x2f: {  	lr =	sadd.s32 s0, s3;
	s0 =	sld [smem:$0x3FA7]  }
0x30: {  	s3 =	sld [smem:$0x3FAA]  }
0x31: {  	[smem:$0x3FB3] =	sst s10  }
0x32: {  	s10 =	sld [smem:$0x3FB1];
	_ =	sdelay $0x3  }
0x33: {  	p0 =	seq.s32 s10, $0x1;
	s10 =	sld [smem:$0x3FB3];
	_ =	sdelay $0x3  }
0x34: {  	[smem:$0x3FB3] =	sst s10  }
0x35: {  	s10 =	sld [smem:$0x3FB2];
	_ =	sdelay $0x3  }
0x36: {  	p1 =	seq.s32 s10, $0x1;
	s10 =	sld [smem:$0x3FB3];
	_ =	sdelay $0x3  }
0x37: {  	[smem:$0x3FB3] =	sst s10  }
0x38: {  	s10 =	sld [smem:$0x3FB4]  }
0x39: {  	_ = 	snop;
	(pc) =	sbr.ind lr, $3  }
0x3a: {  	_ = 	snop  }
0x3b: {  	_ = 	snop  }
0x3c: {  	p2 =	seq.s32 s10, $0x1;
	s10 =	sld [smem:$0x3FB3]  }
0x3d: {  	_ =	shalt  }
0x3e: {  	_ =	shalt  }
0x3f: {  	_ =	shalt  }
0x40: {  	_ =	shalt  }
0x41: {  	_ =	shalt  }
0x42: {  	_ =	shalt  }
0x43: {  	_ =	shalt  }
0x44: {  	_ =	shalt  }
0x45: {  	_ =	shalt  }
0x46: {  	_ =	shalt  }
0x47: {  	_ =	shalt  }
0x48: {  	_ =	shalt  }
0x49: {  	_ =	shalt  }
0x4a: {  	_ =	shalt  }
0x4b: {  	_ =	shalt  }
0x4c: {  	_ =	shalt  }
0x4d: {  	_ =	shalt  }
0x4e: {  	_ =	shalt  }
0x4f: {  	_ =	shalt  }
0x50: {  	_ =	shalt  }
0x51: {  	_ =	shalt  }
0x52: {  	_ =	shalt  }
0x53: {  	_ =	shalt  }
0x54: {  	_ =	shalt  }
0x55: {  	_ =	shalt  }
0x56: {  	_ =	shalt  }
0x57: {  	_ =	shalt  }
0x58: {  	_ =	shalt  }
0x59: {  	_ =	shalt  }
0x5a: {  	_ =	shalt  }
0x5b: {  	_ =	shalt  }
0x5c: {  	_ =	shalt  }
0x5d: {  	_ =	shalt  }
0x5e: {  	_ =	shalt  }
0x5f: {  	_ =	shalt  }
0x60: {  	_ =	shalt  }
0x61: {  	_ =	shalt  }
0x62: {  	_ =	shalt  }
0x63: {  	_ =	shalt  }
0x64: {  	_ =	shalt  }
0x65: {  	_ =	shalt  }
0x66: {  	_ =	shalt  }
0x67: {  	_ =	shalt  }
0x68: {  	_ =	shalt  }
0x69: {  	_ =	shalt  }
0x6a: {  	_ =	shalt  }
0x6b: {  	_ =	shalt  }
0x6c: {  	_ =	shalt  }
0x6d: {  	_ =	shalt  }
0x6e: {  	_ =	shalt  }
0x6f: {  	_ =	shalt  }
0x70: {  	_ =	shalt  }
0x71: {  	_ =	shalt  }
0x72: {  	_ =	shalt  }
0x73: {  	_ =	shalt  }
0x74: {  	_ =	shalt  }
0x75: {  	_ =	shalt  }
0x76: {  	_ =	shalt  }
0x77: {  	_ =	shalt  }
0x78: {  	_ =	shalt  }
0x79: {  	_ =	shalt  }
0x7a: {  	_ =	shalt  }
0x7b: {  	_ =	shalt  }
0x7c: {  	_ =	shalt  }
0x7d: {  	_ =	shalt  }
0x7e: {  	_ =	shalt  }
0x7f: {  	_ =	shalt  }
0x80: {  	_ =	shalt  }
0x81: {  	_ =	shalt  }
0x82: {  	_ =	shalt  }
0x83: {  	_ =	shalt  }
0x84: {  	_ =	shalt  }
0x85: {  	_ =	shalt  }
0x86: {  	_ =	shalt  }
0x87: {  	_ =	shalt  }
.Lfunc_end0:
.L_simem_size_0:
called_computation_lowered:
.L_overlay_start_0:
0x88: {  	s2 =	sld [smem:$0x3FD9]  }
0x89: {  	s3 =	sld [smem:$0x3FFE];
	_ =	sdelay $0x1  }
0x8a: {  	s1 =	srdreg.scid  }
0x8b: {  	s0 =	sand.u32 $0x1, s1  }
0x8c: {  	s17 =	sshll.u32 s0, $0xA;
	s2 =	sadd.s32 s3, s2  }
0x8d: {  	s2 =	sadd.s32 s2, s17  }
0x8e: {  	[smem:$0x3FBF] =	sst s2  }
0x8f: {  	_ = 	snop  }
0x90: {  	s2 =	sld [smem:$0x3FC9];
	(tm) =	ssettm $0x1  }
0x91: {  	s18 =	sld [smem:$0x3FFB];
	_ =	sdelay $0x3  }
0x92: {  	_ =	strace s18  }
0x93: {  	s3 =	sld [smem:$0x3FFC];
	_ =	sdelay $0x3  }
0x94: {  	_ =	strace s3  }
0x95: {  	s3 =	sld [smem:$0x3FFD];
	_ =	sdelay $0x3  }
0x96: {  	_ =	strace s3  }
0x97: {  	_ =	strace $0x8FFFFFFF  }
0x98: {  	s19 =	sld [smem:$0x3FDB];
	_ =	sdelay $0x1  }
0x99: {  	s4 =	simm.s32 $_scs_section_size  }
0x9a: {  	s5 =	simm.s32 $_size__tile_overlayer_lowered;
	s6 =	simm.s32 $_tile_overlayer_lowered  }
0x9b: {  	s22 =	simm.s32 $0x1BFF;
	s21 =	sshll.u32 s6, $0x1;
	s3 =	sadd.s32 s4, s19  }
0x9c: {  	s7 =	simm.s32 $0x0;
	s20 =	sshll.u32 s5, $0x1;
	s5 =	sadd.s32 s21, s3  }
0x9d: {  	[timem:s7], [sflag:s22] =	dma.local [hbm:s5], s20  }
0x9e: {  	_ =	swait.ge [sflag:s22], s20  }
0x9f: {  	s4 =	ssub.s32 $0x0, s20;
	[sflag:s22] =	ssyncset.done $0x0  }
0xa0: {  	[sflag:s22] =	ssyncadd.s32 s4;
	_ =	sdelay $0x1  }
0xa1: {  	s23 =	simm.s32 $0x1B8B  }
0xa2: {  	_ =	swait.ge [sflag:s23], $0x1  }
0xa3: {  	[sflag:s23] =	ssyncset.done $0x0  }
0xa4: {  	s25 =	simm.s32 $0x1B8E;
	s24 =	sld [smem:$0x3FFE];
	[sflag:s23] =	ssyncadd.s32 $0xFFFFFFFF  }
0xa5: {  	s26 =	simm.s32 $execute0_lowered;
	[smem:$0x3FD2] =	sst s25  }
0xa6: {  	s5 =	sshll.u32 s26, $0x1;
	_ =	strace $0x80000046;
	[dreg:$0x1] =	wrdreg $0xFFFFFFFF  }
0xa7: {  	s28 =	simm.s32 $_size_execute0_lowered;
	s3 =	sadd.s32 s3, s5;
	[dreg:$0x0] =	wrdreg $0x0  }
0xa8: {  	s5 =	sshll.u32 s28, $0x1;
	[dreg:$0x2] =	wrdreg s3  }
0xa9: {  	[dreg:$0x3] =	wrdreg s5  }
0xaa: {  	[dreg:$0x4] =	wrdreg $0xC0  }
0xab: {  	_ =	task [dreg:s7], $0x5FFFF  }
0xac: {  	[dreg:$0x1] =	wrdreg $0xFFFFFFFF  }
0xad: {  	[dreg:$0x0] =	wrdreg $0x60  }
0xae: {  	[dreg:$0x2] =	wrdreg s24  }
0xaf: {  	[dreg:$0x3] =	wrdreg s2  }
0xb0: {  	[dreg:$0x4] =	wrdreg $0x9  }
0xb1: {  	_ =	task.clear_ibuf [dreg:s7], $0x5FFFF;
	_ =	strace $0x90000046  }
0xb2: {  	s29 =	simm.s32 $0x9;
	_ =	strace $0x80000048  }
0xb3: {  	_ =	swait.ge [sflag:s29], $0x1  }
0xb4: {  	[sflag:s29] =	ssyncadd.s32 $0xFFFFFFFF  }
0xb5: {  	_ =	strace $0x90000048  }
0xb6: {  	_ =	sfence  }
0xb7: {  	s30 =	sld [smem:$0x0];
	_ =	sdelay $0x2  }
0xb8: {  	s31 =	sshll.u32 s1, $0xD;
	s1 =	sshrl.u32 s1, $0x2  }
0xb9: {  	s3 =	sand.u32 $0x4000, s31;
	s1 =	sadd.s32 s1, s30  }
0xba: {  	s0 =	sor.u32 s3, s0;
	s1 =	sshll.u32 s1, $0x11  }
0xbb: {  	s0 =	sor.u32 s1, s0  }
0xbc: {  	s0 =	sadd.s32 $0x8F2B, s0  }
0xbd: {  	[sflag:s0] =	ssyncadd.remote.s32 $0x1  }
0xbe: {  	_ =	sfence.sel $0xFFFF  }
0xbf: {  	[dreg:$0x0] =	wrdreg $0xFFFFFFFF;
	(pc) =	sbr.abs _section_cstart, $3  }
0xc0: {  	[dreg:$0x1] =	wrdreg $0xFFFFFFFF  }
0xc1: {  	_ =	task.clear_ibuf [dreg:s7], $0x2FFFF;
	_ =	strace $0x9FFFFFFF  }
0xc2: {  	(tm) =	ssettm $0x7FFFFFFF  }
0xc3: {  	_ =	shalt  }
tec
execute0_lowered:
.L_overlay_start_1:
0x0: {  	(tag) =	ssettag $0x1  }
0x1: {  	s1 =	srdreg.scid;
	s4 =	rddreg [dreg:$0x0]  }
0x2: {  	s0 =	stileid.u32;
	s3 =	rddreg [dreg:$0x1]  }
0x3: {  	s2 =	simm.s32 $0x0;
	s17 =	simm.s32 $0x880;
	s18 =	simm.s32 $0x1080  }
0x4: {  	s19 =	simm.s32 $0x1880;
	s20 =	simm.s32 $0x2080;
	s21 =	simm.s32 $0x2880  }
0x5: {  	s23 =	simm.s32 $0x3080;
	s24 =	simm.s32 $0x3880;
	s25 =	simm.s32 $0x4080  }
0x6: {  	s26 =	simm.s32 $0x4880;
	s7 =	simm.s32 $0x80;
	[smem:$0x7FF] =	sst s2  }
0x7: {  	s9 =	simm.s32 $0x5880;
	_ =	strace $0x80000047;
	[dreg:$0x5] =	wrdreg s17  }
0x8: {  	s10 =	simm.s32 $0x6080;
	s11 =	simm.s32 $0x6880;
	[dreg:$0x6] =	wrdreg s18  }
0x9: {  	s12 =	simm.s32 $0x7080;
	s13 =	simm.s32 $0x7880;
	[dreg:$0x7] =	wrdreg s19  }
0xa: {  	s14 =	simm.s32 $0x8080;
	s15 =	simm.s32 $0x8880;
	[dreg:$0x8] =	wrdreg s20  }
0xb: {  	s28 =	simm.s32 $0xE880;
	s29 =	simm.s32 $0xF080;
	[dreg:$0x9] =	wrdreg s21  }
0xc: {  	s30 =	simm.s32 $0xF880;
	s31 =	simm.s32 $0x1;
	[dreg:$0xa] =	wrdreg s23  }
0xd: {  	s1 =	sand.u32 $0x1, s1;
	s5 =	sshll.u32 s0, $0x8;
	[dreg:$0xb] =	wrdreg s24  }
0xe: {  	s6 =	sshll.u32 s1, $0x7;
	s1 =	ssub.s32 $0x2, s1;
	[dreg:$0xc] =	wrdreg s25  }
0xf: {  	[dreg:$0xd] =	wrdreg s26;
	s17 =	simm.s32 $0x9880;
	s18 =	simm.s32 $0xA080  }
0x10: {  	s19 =	simm.s32 $0xA880;
	s20 =	simm.s32 $0xB080;
	s21 =	simm.s32 $0xB880  }
0x11: {  	s23 =	simm.s32 $0xC880;
	s24 =	simm.s32 $0xD080;
	s25 =	simm.s32 $0xD880  }
0x12: {  	s26 =	simm.s32 $0xE080;
	s5 =	sor.u32 s6, s5;
	s22 =	sshrl.u32 s1, $0x1  }
0x13: {  	s6 =	sshll.u32 s5, $0x6;
	s5 =	sshrl.u32 s5, $0x3;
	s1 =	ssub.s32 s1, s22  }
0x14: {  	s22 =	simm.s32 $0xC080;
	s6 =	sadd.s32 s6, s4;
	s3 =	sadd.s32 s3, s5  }
0x15: {  	v2 =	vlaneseq.u32;
	s5 =	smax.u32 s1, $0x1;
	s1 =	simm.s32 $0x2;
	[dreg:$0x3] =	wrdreg s3  }
0x16: {  	vm0 =	vmmov $0xffff;
	v1 =	vshrl.u32 v2, $0x3;
	s16 =	sadd.s32 $0x8A00, s6;
	s3 =	sadd.s32 $0x2400, s4;
	s4 =	sadd.s32 $0x2500, s4  }
0x17: {  	v0 =	vand.u32 $0x7, v2;
	v2 =	vor.u32 $0x8, v2;
	v1 =	vmul.u32 $0x8, v1;
	s6 =	simm.s32 $0x3;
	[dreg:$0x4] =	wrdreg s16;
	s16 =	simm.s32 $0x9080  }
.LBB2_1:
0x18: {  	s0 =	rddreg [dreg:$0x3]  }
0x19: {  	[tilespmem:s2], [sflag:$0x3] =	stream.linear.gather [hbm4b:s0+s2], $0x80, $0x38;
	[tilespmem:$0x10080] =	vst v63  }
0x1a: {  	_ =	swait.ge [sflag:s6], $0x80  }
0x1b: {  	[sflag:s6] =	ssyncset.done $0x0  }
0x1c: {  	[sflag:s6] =	ssyncadd.s32 $0xFFFFFF80  }
0x1d: {  	v3 =	vld [tilespmem:$0x0];
	_ =	sdelay $0x4  }
0x1e: {  	v4 =	vshll.u32 v3, $0x2  }
0x1f: {  	v3 =	vand.u32 $0x7, v3;
	v4 =	vand.u32 $0xFFFFFFE0, v4  }
0x20: {  	v3 =	vor.u32 v3, v4  }
0x21: {  	v4 =	vperm.xlane v3, v0;
	_ =	sdelay $0x1  }
0x22: {  	v4 =	vadd.s32 v1, v4;
	_ =	sdelay $0x1  }
0x23: {  	v3 =	vperm.xlane v3, v2;
	_ =	sdelay $0x1  }
0x24: {  	v3 =	vadd.s32 v1, v3  }
0x25: {  	[tilespmem:s7], [sflag:$0x1] =	stream.indirect_vreg.gather [hbm4b:s3+s2], $0x80, v4, vm0, $0xb8;
	[tilespmem:$0x10080] =	vst v63  }
0x26: {  	s0 =	rddreg [dreg:$0x5]  }
0x27: {  	[tilespmem:s0], [sflag:$0x1] =	stream.indirect_vreg.gather [hbm4b:s4+s2], $0x80, v4, vm0, $0xb8;
	[tilespmem:$0x10080] =	vst v63  }
0x28: {  	s8 =	rddreg [dreg:$0x6]  }
0x29: {  	[tilespmem:s8], [sflag:$0x1] =	stream.indirect_vreg.gather [hbm4b:s3+s2], $0x80, v3, vm0, $0xb8;
	[tilespmem:$0x10080] =	vst v63  }
0x2a: {  	s0 =	rddreg [dreg:$0x7]  }
0x2b: {  	[tilespmem:s0], [sflag:$0x1] =	stream.indirect_vreg.gather [hbm4b:s4+s2], $0x80, v3, vm0, $0xb8;
	[tilespmem:$0x10080] =	vst v63  }
0x2c: {  	v3 =	vld [tilespmem:$0x10];
	_ =	sdelay $0x4  }
0x2d: {  	v57 =	vshll.u32 v3, $0x2  }
0x2e: {  	v3 =	vand.u32 $0x7, v3;
	v4 =	vand.u32 $0xFFFFFFE0, v57  }
0x2f: {  	v3 =	vor.u32 v3, v4  }
0x30: {  	v4 =	vperm.xlane v3, v0;
	_ =	sdelay $0x1  }
0x31: {  	v4 =	vadd.s32 v1, v4;
	_ =	sdelay $0x1  }
0x32: {  	v3 =	vperm.xlane v3, v2;
	_ =	sdelay $0x1  }
0x33: {  	s0 =	rddreg [dreg:$0x8];
	v3 =	vadd.s32 v1, v3  }
0x34: {  	[tilespmem:s0], [sflag:$0x1] =	stream.indirect_vreg.gather [hbm4b:s3+s2], $0x80, v4, vm0, $0xb8;
	[tilespmem:$0x10080] =	vst v63  }
0x35: {  	s8 =	rddreg [dreg:$0x9]  }
0x36: {  	[tilespmem:s8], [sflag:$0x1] =	stream.indirect_vreg.gather [hbm4b:s4+s2], $0x80, v4, vm0, $0xb8;
	[tilespmem:$0x10080] =	vst v63  }
0x37: {  	s0 =	rddreg [dreg:$0xa]  }
0x38: {  	[tilespmem:s0], [sflag:$0x1] =	stream.indirect_vreg.gather [hbm4b:s3+s2], $0x80, v3, vm0, $0xb8;
	[tilespmem:$0x10080] =	vst v63  }
0x39: {  	s8 =	rddreg [dreg:$0xb]  }
0x3a: {  	[tilespmem:s8], [sflag:$0x1] =	stream.indirect_vreg.gather [hbm4b:s4+s2], $0x80, v3, vm0, $0xb8;
	[tilespmem:$0x10080] =	vst v63  }
0x3b: {  	v3 =	vld [tilespmem:$0x20];
	_ =	sdelay $0x4  }
0x3c: {  	v58 =	vshll.u32 v3, $0x2  }
0x3d: {  	v3 =	vand.u32 $0x7, v3;
	v4 =	vand.u32 $0xFFFFFFE0, v58  }
0x3e: {  	v3 =	vor.u32 v3, v4  }
0x3f: {  	v4 =	vperm.xlane v3, v0;
	_ =	sdelay $0x1  }
0x40: {  	v4 =	vadd.s32 v1, v4;
	_ =	sdelay $0x1  }
0x41: {  	v3 =	vperm.xlane v3, v2;
	_ =	sdelay $0x1  }
0x42: {  	s0 =	rddreg [dreg:$0xc];
	v3 =	vadd.s32 v1, v3  }
0x43: {  	[tilespmem:s0], [sflag:$0x1] =	stream.indirect_vreg.gather [hbm4b:s3+s2], $0x80, v4, vm0, $0xb8;
	[tilespmem:$0x10080] =	vst v63  }
0x44: {  	s8 =	rddreg [dreg:$0xd]  }
0x45: {  	[tilespmem:s8], [sflag:$0x1] =	stream.indirect_vreg.gather [hbm4b:s4+s2], $0x80, v4, vm0, $0xb8;
	[tilespmem:$0x10080] =	vst v63  }
0x46: {  	s8 =	simm.s32 $0x5080  }
0x47: {  	[tilespmem:s8], [sflag:$0x1] =	stream.indirect_vreg.gather [hbm4b:s3+s2], $0x80, v3, vm0, $0xb8;
	[tilespmem:$0x10080] =	vst v63  }
0x48: {  	_ = 	snop  }
0x49: {  	[tilespmem:s9], [sflag:$0x1] =	stream.indirect_vreg.gather [hbm4b:s4+s2], $0x80, v3, vm0, $0xb8;
	[tilespmem:$0x10080] =	vst v63  }
0x4a: {  	v3 =	vld [tilespmem:$0x30];
	_ =	sdelay $0x4  }
0x4b: {  	v59 =	vshll.u32 v3, $0x2  }
0x4c: {  	v3 =	vand.u32 $0x7, v3;
	v4 =	vand.u32 $0xFFFFFFE0, v59  }
0x4d: {  	v3 =	vor.u32 v3, v4  }
0x4e: {  	v4 =	vperm.xlane v3, v0;
	_ =	sdelay $0x1  }
0x4f: {  	v4 =	vadd.s32 v1, v4;
	_ =	sdelay $0x1  }
0x50: {  	v3 =	vperm.xlane v3, v2;
	_ =	sdelay $0x1  }
0x51: {  	v3 =	vadd.s32 v1, v3  }
0x52: {  	[tilespmem:s10], [sflag:$0x1] =	stream.indirect_vreg.gather [hbm4b:s3+s2], $0x80, v4, vm0, $0xb8;
	[tilespmem:$0x10080] =	vst v63  }
0x53: {  	_ = 	snop  }
0x54: {  	[tilespmem:s11], [sflag:$0x1] =	stream.indirect_vreg.gather [hbm4b:s4+s2], $0x80, v4, vm0, $0xb8;
	[tilespmem:$0x10080] =	vst v63  }
0x55: {  	_ = 	snop  }
0x56: {  	[tilespmem:s12], [sflag:$0x1] =	stream.indirect_vreg.gather [hbm4b:s3+s2], $0x80, v3, vm0, $0xb8;
	[tilespmem:$0x10080] =	vst v63  }
0x57: {  	_ = 	snop  }
0x58: {  	[tilespmem:s13], [sflag:$0x1] =	stream.indirect_vreg.gather [hbm4b:s4+s2], $0x80, v3, vm0, $0xb8;
	[tilespmem:$0x10080] =	vst v63  }
0x59: {  	v3 =	vld [tilespmem:$0x40];
	_ =	sdelay $0x4  }
0x5a: {  	v60 =	vshll.u32 v3, $0x2  }
0x5b: {  	v3 =	vand.u32 $0x7, v3;
	v4 =	vand.u32 $0xFFFFFFE0, v60  }
0x5c: {  	v3 =	vor.u32 v3, v4  }
0x5d: {  	v4 =	vperm.xlane v3, v0;
	_ =	sdelay $0x1  }
0x5e: {  	v4 =	vadd.s32 v1, v4;
	_ =	sdelay $0x1  }
0x5f: {  	v3 =	vperm.xlane v3, v2;
	_ =	sdelay $0x1  }
0x60: {  	v3 =	vadd.s32 v1, v3  }
0x61: {  	[tilespmem:s14], [sflag:$0x1] =	stream.indirect_vreg.gather [hbm4b:s3+s2], $0x80, v4, vm0, $0xb8;
	[tilespmem:$0x10080] =	vst v63  }
0x62: {  	_ = 	snop  }
0x63: {  	[tilespmem:s15], [sflag:$0x1] =	stream.indirect_vreg.gather [hbm4b:s4+s2], $0x80, v4, vm0, $0xb8;
	[tilespmem:$0x10080] =	vst v63  }
0x64: {  	_ = 	snop  }
0x65: {  	[tilespmem:s16], [sflag:$0x1] =	stream.indirect_vreg.gather [hbm4b:s3+s2], $0x80, v3, vm0, $0xb8;
	[tilespmem:$0x10080] =	vst v63  }
0x66: {  	_ = 	snop  }
0x67: {  	[tilespmem:s17], [sflag:$0x1] =	stream.indirect_vreg.gather [hbm4b:s4+s2], $0x80, v3, vm0, $0xb8;
	[tilespmem:$0x10080] =	vst v63  }
0x68: {  	v3 =	vld [tilespmem:$0x50];
	_ =	sdelay $0x4  }
0x69: {  	v61 =	vshll.u32 v3, $0x2  }
0x6a: {  	v3 =	vand.u32 $0x7, v3;
	v4 =	vand.u32 $0xFFFFFFE0, v61  }
0x6b: {  	v3 =	vor.u32 v3, v4  }
0x6c: {  	v4 =	vperm.xlane v3, v0;
	_ =	sdelay $0x1  }
0x6d: {  	v4 =	vadd.s32 v1, v4;
	_ =	sdelay $0x1  }
0x6e: {  	v3 =	vperm.xlane v3, v2;
	_ =	sdelay $0x1  }
0x6f: {  	v3 =	vadd.s32 v1, v3  }
0x70: {  	[tilespmem:s18], [sflag:$0x1] =	stream.indirect_vreg.gather [hbm4b:s3+s2], $0x80, v4, vm0, $0xb8;
	[tilespmem:$0x10080] =	vst v63  }
0x71: {  	_ = 	snop  }
0x72: {  	[tilespmem:s19], [sflag:$0x1] =	stream.indirect_vreg.gather [hbm4b:s4+s2], $0x80, v4, vm0, $0xb8;
	[tilespmem:$0x10080] =	vst v63  }
0x73: {  	_ = 	snop  }
0x74: {  	[tilespmem:s20], [sflag:$0x1] =	stream.indirect_vreg.gather [hbm4b:s3+s2], $0x80, v3, vm0, $0xb8;
	[tilespmem:$0x10080] =	vst v63  }
0x75: {  	_ = 	snop  }
0x76: {  	[tilespmem:s21], [sflag:$0x1] =	stream.indirect_vreg.gather [hbm4b:s4+s2], $0x80, v3, vm0, $0xb8;
	[tilespmem:$0x10080] =	vst v63  }
0x77: {  	v3 =	vld [tilespmem:$0x60];
	_ =	sdelay $0x4  }
0x78: {  	v62 =	vshll.u32 v3, $0x2  }
0x79: {  	v3 =	vand.u32 $0x7, v3;
	v4 =	vand.u32 $0xFFFFFFE0, v62  }
0x7a: {  	v3 =	vor.u32 v3, v4  }
0x7b: {  	v4 =	vperm.xlane v3, v0;
	_ =	sdelay $0x1  }
0x7c: {  	v4 =	vadd.s32 v1, v4;
	_ =	sdelay $0x1  }
0x7d: {  	v3 =	vperm.xlane v3, v2;
	_ =	sdelay $0x1  }
0x7e: {  	v3 =	vadd.s32 v1, v3  }
0x7f: {  	[tilespmem:s22], [sflag:$0x1] =	stream.indirect_vreg.gather [hbm4b:s3+s2], $0x80, v4, vm0, $0xb8;
	[tilespmem:$0x10080] =	vst v63  }
0x80: {  	_ = 	snop  }
0x81: {  	[tilespmem:s23], [sflag:$0x1] =	stream.indirect_vreg.gather [hbm4b:s4+s2], $0x80, v4, vm0, $0xb8;
	[tilespmem:$0x10080] =	vst v63  }
0x82: {  	_ = 	snop  }
0x83: {  	[tilespmem:s24], [sflag:$0x1] =	stream.indirect_vreg.gather [hbm4b:s3+s2], $0x80, v3, vm0, $0xb8;
	[tilespmem:$0x10080] =	vst v63  }
0x84: {  	_ = 	snop  }
0x85: {  	[tilespmem:s25], [sflag:$0x1] =	stream.indirect_vreg.gather [hbm4b:s4+s2], $0x80, v3, vm0, $0xb8;
	[tilespmem:$0x10080] =	vst v63  }
0x86: {  	v3 =	vld [tilespmem:$0x70];
	_ =	sdelay $0x4  }
0x87: {  	v63 =	vshll.u32 v3, $0x2  }
0x88: {  	v3 =	vand.u32 $0x7, v3;
	v4 =	vand.u32 $0xFFFFFFE0, v63  }
0x89: {  	v3 =	vor.u32 v3, v4  }
0x8a: {  	v4 =	vperm.xlane v3, v0;
	_ =	sdelay $0x1  }
0x8b: {  	v4 =	vadd.s32 v1, v4;
	_ =	sdelay $0x1  }
0x8c: {  	v3 =	vperm.xlane v3, v2;
	_ =	sdelay $0x1  }
0x8d: {  	v3 =	vadd.s32 v1, v3  }
0x8e: {  	[tilespmem:s26], [sflag:$0x1] =	stream.indirect_vreg.gather [hbm4b:s3+s2], $0x80, v4, vm0, $0xb8;
	[tilespmem:$0x10080] =	vst v63  }
0x8f: {  	_ = 	snop  }
0x90: {  	[tilespmem:s28], [sflag:$0x1] =	stream.indirect_vreg.gather [hbm4b:s4+s2], $0x80, v4, vm0, $0xb8;
	[tilespmem:$0x10080] =	vst v63  }
0x91: {  	_ = 	snop  }
0x92: {  	[tilespmem:s29], [sflag:$0x1] =	stream.indirect_vreg.gather [hbm4b:s3+s2], $0x80, v3, vm0, $0xb8;
	[tilespmem:$0x10080] =	vst v63  }
0x93: {  	_ = 	snop  }
0x94: {  	[tilespmem:s30], [sflag:$0x1] =	stream.indirect_vreg.gather [hbm4b:s4+s2], $0x80, v3, vm0, $0xb8;
	[tilespmem:$0x10080] =	vst v63  }
0x95: {  	_ =	swait.ge [sflag:s31], $0x10000  }
0x96: {  	p0 =	sne.s32 s5, $0x1;
	[sflag:s31] =	ssyncset.done $0x0  }
.Ltmp0:
0x97: {  	s8 =	rddreg [dreg:$0x4];
	[sflag:s31] =	ssyncadd.s32 $0xFFFF0000;
	(pc) =	sbr.rel @p0 .LBB2_1-.Ltmp0, $4  }
0x98: {  	[hbm4b:s8+s2] =	stream.linear.scatter [tilespmem:s7], [sflag:$0x2], $0x10000, $0x38;
	[tilespmem:$0x10080] =	vst v63  }
0x99: {  	_ =	swait.ge [sflag:s1], $0x10000  }
0x9a: {  	[sflag:s1] =	ssyncset.done $0x0  }
0x9b: {  	s5 =	sadd.s32 $0xFFFFFFFF, s5;
	[sflag:s1] =	ssyncadd.s32 $0xFFFF0000  }
0x9c: {  	_ =	sfence.sel $0x180000  }
0x9d: {  	[bflag:$0x0] =	sbarrier.arrive $0xFFFF  }
0x9e: {  	_ =	strace $0x90000047  }
0x9f: {  	s0 =	stileid.u32;
	[bflag:$0x2] =	sbarrier.arrive $0xFFFF  }
0xa0: {  	p0 =	sne.s32 s0, $0x0;
	s0 =	rddreg [dreg:$0x2]  }
0xa1: {  	s0 =	sadd.s32 @!p0 $0x100000, s0  }
0xa2: {  	[sflag:s0] =	ssyncadd.tile.s32 @!p0 $0x1;
	_ =	shalt  }
.Lfunc_end2:
_tile_overlayer_lowered:
.L_overlay_start_2:
0xa3: {  	(tag) =	ssettag $0x2  }
0xa4: {  	s0 =	rddreg [dreg:$0x0];
	s2 =	stileid.u32  }
0xa5: {  	s1 =	rddreg [dreg:$0x1];
	p0 =	sne.s32 s2, $0x0  }
0xa6: {  	s3 =	rddreg [dreg:$0x2];
	[bflag:$0x3] =	sbarrier.arrive $0xFFFF;
	s2 =	simm.s32 @!p0 $0x1C03  }
0xa7: {  	[timem:s3], [sflag:s2] =	dma.local @!p0 [hbm:s0], s1  }
0xa8: {  	s0 =	simm.s32 @!p0 $0x3  }
0xa9: {  	_ =	swait.ge @!p0 [sflag:s0], s1  }
0xaa: {  	s1 =	ssub.s32 @!p0 $0x0, s1;
	[sflag:s0] =	ssyncset.done @!p0 $0x0  }
0xab: {  	[sflag:s0] =	ssyncadd.s32 @!p0 s1  }
0xac: {  	[bflag:$0x3] =	sbarrier.arrive $0xFFFF  }
0xad: {  	_ =	shalt  }

</sc_bundles>
